<compile_context>
chip_gen: v7x
topology: tpu7x:2x2x1
jax: 0.10.2.dev20260603
libtpu: 0.0.44.dev20260713+nightly
codegen_flags: <defaults>
</compile_context>

<pallas_src>
import jax
import jax.numpy as jnp
from jax import lax
from jax.experimental import pallas as pl
from jax.experimental.pallas import tpu as pltpu
from jax.experimental.pallas import tpu_sc as plsc

N = 1024
NTR = 819
NTE = 205
NTR_PAD = 832
LANES = 16
SHIFT = 12.0


def _main_kernel(seq1_ref, adj_ref, idxte_ref, counts_ref, Wstru_ref,
                 bstru_ref, Wgat_ref, attsrc_ref, attdst_ref, bgat_ref,
                 Wa1_ref, ba1_ref, Wa2_ref, ba2_ref, loss_ref, test_ref):
    f32 = jnp.float32
    seq1 = seq1_ref[...]
    adj = adj_ref[...]

    h = jnp.maximum(
        lax.dot_general(seq1, Wstru_ref[...], (((1,), (1,)), ((), ())),
                        preferred_element_type=f32) + bstru_ref[...][None, :],
        0.0)
    xw = lax.dot_general(h, Wgat_ref[...].T, (((1,), (0,)), ((), ())),
                         preferred_element_type=f32)

    a_src = jnp.sum(xw * attsrc_ref[...][None, :], axis=1, keepdims=True)
    a_dst = lax.dot_general(attdst_ref[...][None, :], xw,
                            (((1,), (1,)), ((), ())),
                            preferred_element_type=f32)

    z = a_src + a_dst
    e = jnp.where(z >= 0.0, z, 0.2 * z)

    rows = lax.broadcasted_iota(jnp.int32, (N, N), 0)
    cols = lax.broadcasted_iota(jnp.int32, (N, N), 1)
    cnt = adj + jnp.where(rows == cols, 1.0, 0.0)

    w = cnt * jnp.exp(e - SHIFT)

    num = lax.dot_general(w, xw, (((0,), (0,)), ((), ())),
                          preferred_element_type=f32)
    ones = jnp.ones((N, 1), f32)
    den = lax.dot_general(w, ones, (((0,), (0,)), ((), ())),
                          preferred_element_type=f32)
    emb = num / den + bgat_ref[...][None, :]

    x = jnp.maximum(
        lax.dot_general(seq1, Wa1_ref[...], (((1,), (1,)), ((), ())),
                        preferred_element_type=f32) + ba1_ref[...][None, :],
        0.0)
    x_ = lax.dot_general(x, Wa2_ref[...].T, (((1,), (0,)), ((), ())),
                         preferred_element_type=f32) + ba2_ref[...][None, :]
    da = seq1 - x_
    attr_half = 0.5 * jnp.sqrt(jnp.sum(da * da, axis=1, keepdims=True))

    p = lax.dot_general(emb, emb, (((1,), (1,)), ((), ())),
                        preferred_element_type=f32)
    s = jax.nn.sigmoid(p)
    ds = adj - s
    stru_half = 0.5 * jnp.sqrt(jnp.sum(ds * ds, axis=1, keepdims=True))

    score = attr_half + stru_half

    counts = counts_ref[...][None, :]
    loss_ref[...] = lax.dot_general(counts, score, (((1,), (0,)), ((), ())),
                                    preferred_element_type=f32) / NTR

    idxte = idxte_ref[...][None, :]
    oh_te = (lax.broadcasted_iota(jnp.int32, (N, NTE), 0) == idxte)
    test_ref[...] = lax.dot_general(score, oh_te.astype(f32),
                                    (((0,), (0,)), ((), ())),
                                    preferred_element_type=f32)


def _count_body(idxtr_hbm, out_hbm, idx_v, tab_v, sem):
    is_worker = jnp.logical_and(lax.axis_index("c") == 1,
                                lax.axis_index("s") == 0)

    @pl.when(is_worker)
    def _():
        c1 = pltpu.make_async_copy(idxtr_hbm, idx_v.at[pl.ds(0, NTR)], sem)
        c1.start()

        def zero_body(i, carry):
            tab_v[pl.ds(i * LANES, LANES)] = jnp.zeros((LANES,), jnp.float32)
            return carry

        lax.fori_loop(0, N // LANES, zero_body, 0)
        c1.wait()

        lane = lax.iota(jnp.int32, LANES)
        one = jnp.ones((LANES,), jnp.float32)

        def scat_body(i, carry):
            valid = lane + i * LANES < NTR
            idx = jnp.where(valid, idx_v[pl.ds(i * LANES, LANES)], 0)
            plsc.addupdate_scatter(tab_v, [idx],
                                   jnp.where(valid, one, 0.0))
            return carry

        lax.fori_loop(0, NTR_PAD // LANES, scat_body, 0)
        pltpu.sync_copy(tab_v, out_hbm)


def _sc_counts(idxtr):
    return pl.kernel(
        _count_body,
        out_type=jax.ShapeDtypeStruct((N,), jnp.float32),
        mesh=plsc.VectorSubcoreMesh(core_axis_name="c",
                                    subcore_axis_name="s"),
        compiler_params=pltpu.CompilerParams(needs_layout_passes=False),
        scratch_types=[
            pltpu.VMEM((NTR_PAD,), jnp.int32),
            pltpu.VMEM((N,), jnp.float32),
            pltpu.SemaphoreType.DMA,
        ],
    )(idxtr)


def kernel(seq1, adj, idx_train, idx_test, W_stru, b_stru, W_gat, att_src,
           att_dst, b_gat, W_a1, b_a1, W_a2, b_a2):
    f32 = jnp.float32
    seq1 = jnp.asarray(seq1, f32).reshape(N, 128)
    adj = jnp.asarray(adj, f32).reshape(N, N)
    idxtr = jnp.asarray(idx_train, jnp.int32).reshape(NTR)
    idxte = jnp.asarray(idx_test, jnp.int32).reshape(NTE)

    counts = _sc_counts(idxtr)

    loss2d, test2d = pl.pallas_call(
        _main_kernel,
        out_shape=(
            jax.ShapeDtypeStruct((1, 1), f32),
            jax.ShapeDtypeStruct((1, NTE), f32),
        ),
    )(seq1, adj, idxte, counts, W_stru, b_stru, W_gat, att_src, att_dst,
      b_gat, W_a1, b_a1, W_a2, b_a2)

    return (loss2d.reshape(()), test2d.reshape(NTE))

# --- scband reference (transcript-rebuilt; emitter-appended) ---
"""Pipeline reference for scband-model-386547056879 (READ-ONLY COPY).

The authoritative reference and input builder live on the scoring server;
editing this copy changes nothing except your own understanding.
"""

import jax, jax.numpy as jnp
import numpy as np

N = 1024
N_IN = 128
N_H = 64

def _glorot(key, shape):
    fan_out, fan_in = shape[0], shape[-1]
    limit = np.sqrt(6.0 / (fan_in + fan_out))
    return jax.random.uniform(key, shape, jnp.float32, -limit, limit)

def setup_inputs(seed: int = 0):
    key = jax.random.key(seed)
    ks = jax.random.split(key, 12)
    seq1 = jax.random.normal(ks[0], (N, N_IN), dtype=jnp.float32)
    adj = jax.random.randint(ks[1], (N, N), 0, 2).astype(jnp.float32)
    idx_train = jax.random.randint(ks[2], (819,), 0, N)
    idx_test = jax.random.randint(ks[3], (205,), 0, N)
    W_stru = _glorot(ks[4], (N_H, N_IN))
    b_stru = jnp.zeros((N_H,), jnp.float32)
    W_gat = _glorot(ks[5], (N_IN, N_H))
    att_src = _glorot(ks[6], (1, N_IN)).reshape((N_IN,))
    att_dst = _glorot(ks[7], (1, N_IN)).reshape((N_IN,))
    b_gat = jnp.zeros((N_IN,), jnp.float32)
    W_a1 = _glorot(ks[8], (N_H, N_IN))
    b_a1 = jnp.zeros((N_H,), jnp.float32)
    W_a2 = _glorot(ks[9], (N_IN, N_H))
    b_a2 = jnp.zeros((N_IN,), jnp.float32)
    return {"seq1": seq1, "adj": adj, "idx_train": idx_train, "idx_test": idx_test,
            "W_stru": W_stru, "b_stru": b_stru, "W_gat": W_gat, "att_src": att_src,
            "att_dst": att_dst, "b_gat": b_gat, "W_a1": W_a1, "b_a1": b_a1,
            "W_a2": W_a2, "b_a2": b_a2}

def _gat_conv(x, src, dst, n, W_gat, att_src, att_dst, b_gat):
    xw = x @ W_gat.T
    loop = jnp.arange(n)
    src2 = jnp.concatenate([src, loop])
    dst2 = jnp.concatenate([dst, loop])
    a_src = xw @ att_src
    a_dst = xw @ att_dst
    e = jax.nn.leaky_relu(a_src[src2] + a_dst[dst2], negative_slope=0.2)
    e_max = jax.ops.segment_max(e, dst2, num_segments=n)
    e = jnp.exp(e - e_max[dst2])
    denom = jax.ops.segment_sum(e, dst2, num_segments=n)
    alpha = e / (denom[dst2] + 1e-16)
    out = jax.ops.segment_sum(alpha[:, None] * xw[src2], dst2, num_segments=n)
    return out + b_gat

def _double_recon_loss(x, x_, s, s_, weight=0.5):
    attr_error = jnp.sqrt(jnp.sum((x - x_) ** 2, axis=1))
    stru_error = jnp.sqrt(jnp.sum((s - s_) ** 2, axis=1))
    return weight * attr_error + (1.0 - weight) * stru_error

def reference(seq1, adj, idx_train, idx_test, W_stru, b_stru, W_gat, att_src, att_dst, b_gat, W_a1, b_a1, W_a2, b_a2):
    adj = jnp.squeeze(adj)
    seq1 = jnp.squeeze(seq1)
    n = adj.shape[0]
    src, dst = jnp.nonzero(adj > 0, size=n * n, fill_value=n)
    h = jax.nn.relu(seq1 @ W_stru.T + b_stru)
    emb = _gat_conv(h, src, dst, n, W_gat, att_src, att_dst, b_gat)
    s_ = jax.nn.sigmoid(emb @ emb.T)
    x = jax.nn.relu(seq1 @ W_a1.T + b_a1)
    x_ = x @ W_a2.T + b_a2
    score = _double_recon_loss(seq1[idx_train], x_[idx_train], adj[idx_train], s_[idx_train], 0.5)
    loss = jnp.mean(score)
    score_test = _double_recon_loss(seq1[idx_test], x_[idx_test], adj[idx_test], s_[idx_test], 0.5)
    return (loss, score_test)

if __name__ == "__main__":
    import jax
    _d = setup_inputs()
    print(jax.jit(kernel)(*tuple(_d.values())))

</pallas_src>

<mosaic_0001>
#map = affine_map<(d0, d1) -> (0)>
module attributes {stable_mosaic.version = 14 : i64} {
  func.func @_count_body(%arg0: i32, %arg1: i32, %arg2: memref<819xi32, #tpu.memory_space<hbm>>, %arg3: memref<1024xf32, #tpu.memory_space<hbm>>, %arg4: memref<832xi32, #tpu.memory_space<vmem>>, %arg5: memref<1024xf32, #tpu.memory_space<vmem>>, %arg6: memref<!tpu.dma_semaphore, #tpu.memory_space<semaphore_mem>>) attributes {dimension_semantics = [#tpu.dimension_semantics<core_parallel>, #tpu.dimension_semantics<subcore_parallel>], iteration_bounds = array<i64: 2, 16>, scalar_prefetch = 0 : i64, scratch_operands = 3 : i64, tpu.core_type = #tpu.core_type<sc_vector_subcore>, window_params = [{transform_indices = #map}, {transform_indices = #map}]} {
    %eq3A = arith.constant 1 : i32
    %eq3A_0 = arith.cmpi eq, %arg0, %eq3A : i32
    %eq3A_1 = arith.constant 0 : i32
    %eq3A_2 = arith.cmpi eq, %arg1, %eq3A_1 : i32
    %and3A = arith.andi %eq3A_0, %eq3A_2 : i1
    %convert_element_type3A = arith.extui %and3A : i1 to i32
    %cond3A = arith.constant 0 : i32
    %cond3A_3 = arith.cmpi ne, %convert_element_type3A, %cond3A : i32
    scf.if %cond3A_3 {
      %dma_start3A = arith.constant 0 : i32
      %dma_start3A_4 = tpu.memref_slice %arg4[%dma_start3A] : memref<832xi32, #tpu.memory_space<vmem>> -> memref<819xi32, #tpu.memory_space<vmem>>
      %dma_start3A_5 = arith.constant 0 : i32
      %dma_start3A_6 = tpu.memref_slice %arg4[%dma_start3A_5] : memref<832xi32, #tpu.memory_space<vmem>> -> memref<819xi32, #tpu.memory_space<vmem>>
      tpu.enqueue_dma source(%arg2 : memref<819xi32, #tpu.memory_space<hbm>>) target(%dma_start3A_6 : memref<819xi32, #tpu.memory_space<vmem>>) target_semaphore(%arg6 : memref<!tpu.dma_semaphore, #tpu.memory_space<semaphore_mem>>)
      %scan3A = arith.constant 0 : i32
      %scan3A_7 = arith.constant 0 : i32
      %scan3A_8 = arith.constant 64 : i32
      %scan3A_9 = arith.addi %scan3A_7, %scan3A_8 : i32
      %scan3A_10 = arith.constant 1 : i32
      scf.for %scan3A_22 = %scan3A_7 to %scan3A_9 step %scan3A_10  : i32 {
        %broadcast_in_dim3A_23 = arith.constant 0.000000e+00 : f32
        %broadcast_in_dim3A_24 = vector.broadcast %broadcast_in_dim3A_23 : f32 to vector<16xf32>
        %mul3A = arith.constant 16 : i32
        %mul3A_25 = arith.muli %scan3A_22, %mul3A : i32
        %swap3A = arith.index_cast %mul3A_25 : i32 to index
        %swap3A_26 = tpu.vector_load %arg5[%swap3A] {strides = array<i32>} : memref<1024xf32, #tpu.memory_space<vmem>>, vector<16xf32>,
        tpu.vector_store %arg5[%swap3A], %broadcast_in_dim3A_24 {strides = array<i32>} : memref<1024xf32, #tpu.memory_space<vmem>>, vector<16xf32>,
      }
      %scan3A_11 = arith.constant 64 : i32
      %dma_wait3A = arith.constant 0 : i32
      %dma_wait3A_12 = tpu.memref_slice %arg4[%dma_wait3A] : memref<832xi32, #tpu.memory_space<vmem>> -> memref<819xi32, #tpu.memory_space<vmem>>
      %dma_wait3A_13 = arith.constant 0 : i32
      %dma_wait3A_14 = tpu.memref_slice %arg4[%dma_wait3A_13] : memref<832xi32, #tpu.memory_space<vmem>> -> memref<819xi32, #tpu.memory_space<vmem>>
      tpu.wait_dma2 semaphore(%arg6 : memref<!tpu.dma_semaphore, #tpu.memory_space<semaphore_mem>>) src(%arg2 : memref<819xi32, #tpu.memory_space<hbm>>) dst(%dma_wait3A_14 : memref<819xi32, #tpu.memory_space<vmem>>)
      %iota3A = tpu.iota {dimensions = array<i32: 0>} : vector<16xi32>
      %broadcast_in_dim3A = arith.constant 1.000000e+00 : f32
      %broadcast_in_dim3A_15 = vector.broadcast %broadcast_in_dim3A : f32 to vector<16xf32>
      %scan3A_16 = arith.constant 0 : i32
      %scan3A_17 = arith.constant 0 : i32
      %scan3A_18 = arith.constant 52 : i32
      %scan3A_19 = arith.addi %scan3A_17, %scan3A_18 : i32
      %scan3A_20 = arith.constant 1 : i32
      scf.for %scan3A_22 = %scan3A_17 to %scan3A_19 step %scan3A_20  : i32 {
        %mul3A = arith.constant 16 : i32
        %mul3A_23 = arith.muli %scan3A_22, %mul3A : i32
        %add3A = vector.broadcast %mul3A_23 : i32 to vector<16xi32>
        %add3A_24 = arith.addi %iota3A, %add3A : vector<16xi32>
        %lt3A = arith.constant 819 : i32
        %lt3A_25 = vector.broadcast %lt3A : i32 to vector<16xi32>
        %lt3A_26 = arith.cmpi slt, %add3A_24, %lt3A_25 : vector<16xi32>
        %mul3A_27 = arith.constant 16 : i32
        %mul3A_28 = arith.muli %scan3A_22, %mul3A_27 : i32
        %get3A = arith.index_cast %mul3A_28 : i32 to index
        %get3A_29 = tpu.vector_load %arg4[%get3A] {strides = array<i32>} : memref<832xi32, #tpu.memory_space<vmem>>, vector<16xi32>,
        %jit3A = arith.constant 0 : i32
        %broadcast_in_dim3A_30 = vector.broadcast %jit3A : i32 to vector<16xi32>
        %select_n3A = arith.select %lt3A_26, %get3A_29, %broadcast_in_dim3A_30 : vector<16xi1>, vector<16xi32>
        %jit3A_31 = arith.constant 0.000000e+00 : f32
        %broadcast_in_dim3A_32 = vector.broadcast %jit3A_31 : f32 to vector<16xf32>
        %select_n3A_33 = arith.select %lt3A_26, %broadcast_in_dim3A_15, %broadcast_in_dim3A_32 : vector<16xi1>, vector<16xf32>
        tpu.vector_store_idx %arg5[%select_n3A], %select_n3A_33 {add = true} : memref<1024xf32, #tpu.memory_space<vmem>>[vector<16xi32>], vector<16xf32>,
      }
      %scan3A_21 = arith.constant 52 : i32
      "tpu.region"() ({
        %run_scoped3A = tpu.sem_alloc : memref<!tpu.dma_semaphore, #tpu.memory_space<semaphore_mem>>
        tpu.enqueue_dma source(%arg5 : memref<1024xf32, #tpu.memory_space<vmem>>) target(%arg3 : memref<1024xf32, #tpu.memory_space<hbm>>) target_semaphore(%run_scoped3A : memref<!tpu.dma_semaphore, #tpu.memory_space<semaphore_mem>>)
        tpu.wait_dma2 semaphore(%run_scoped3A : memref<!tpu.dma_semaphore, #tpu.memory_space<semaphore_mem>>) src(%arg5 : memref<1024xf32, #tpu.memory_space<vmem>>) dst(%arg3 : memref<1024xf32, #tpu.memory_space<hbm>>)
        tpu.yield
      }) : () -> ()
    } else {
    }
    return
  }
}

module attributes {stable_mosaic.version = 14 : i64} {
  func.func @_main_kernel(%arg0: memref<1024x128xf32, #tpu.memory_space<vmem>>, %arg1: memref<1024x1024xf32, #tpu.memory_space<vmem>>, %arg2: memref<205xi32, #tpu.memory_space<vmem>>, %arg3: memref<1024xf32, #tpu.memory_space<vmem>>, %arg4: memref<64x128xf32, #tpu.memory_space<vmem>>, %arg5: memref<64xf32, #tpu.memory_space<vmem>>, %arg6: memref<128x64xf32, #tpu.memory_space<vmem>>, %arg7: memref<128xf32, #tpu.memory_space<vmem>>, %arg8: memref<128xf32, #tpu.memory_space<vmem>>, %arg9: memref<128xf32, #tpu.memory_space<vmem>>, %arg10: memref<64x128xf32, #tpu.memory_space<vmem>>, %arg11: memref<64xf32, #tpu.memory_space<vmem>>, %arg12: memref<128x64xf32, #tpu.memory_space<vmem>>, %arg13: memref<128xf32, #tpu.memory_space<vmem>>, %arg14: memref<1x1xf32, #tpu.memory_space<vmem>>, %arg15: memref<1x205xf32, #tpu.memory_space<vmem>>) attributes {dimension_semantics = [], scalar_prefetch = 0 : i64, scratch_operands = 0 : i64, tpu.core_type = #tpu.core_type<tc>} {
    %get3A = arith.constant 0 : index
    %get3A_0 = arith.constant 0 : index
    %get3A_1 = vector.load %arg0[%get3A, %get3A_0] : memref<1024x128xf32, #tpu.memory_space<vmem>>, vector<1024x128xf32>
    %get3A_2 = arith.constant 0 : index
    %get3A_3 = arith.constant 0 : index
    %get3A_4 = vector.load %arg1[%get3A_2, %get3A_3] : memref<1024x1024xf32, #tpu.memory_space<vmem>>, vector<1024x1024xf32>
    %get3A_5 = arith.constant 0 : index
    %get3A_6 = arith.constant 0 : index
    %get3A_7 = vector.load %arg4[%get3A_5, %get3A_6] : memref<64x128xf32, #tpu.memory_space<vmem>>, vector<64x128xf32>
    %dot_general3A = arith.constant dense<0.000000e+00> : vector<1024x64xf32>
    %dot_general3A_8 = tpu.matmul %get3A_1, %get3A_7, %dot_general3A {dimension_numbers = #tpu.dot_dimension_numbers<[1], [1], [0], [0], [0, 0, 1, 0], [], []>, transpose_lhs_hint = false} : vector<1024x128xf32>, vector<64x128xf32>, vector<1024x64xf32> -> vector<1024x64xf32>
    %get3A_9 = arith.constant 0 : index
    %get3A_10 = vector.load %arg5[%get3A_9] : memref<64xf32, #tpu.memory_space<vmem>>, vector<64xf32>
    %broadcast_in_dim3A = vector.shape_cast %get3A_10 : vector<64xf32> to vector<1x64xf32>
    %add3A = vector.broadcast %broadcast_in_dim3A : vector<1x64xf32> to vector<1024x64xf32>
    %add3A_11 = arith.addf %dot_general3A_8, %add3A : vector<1024x64xf32>
    %max3A = arith.constant 0.000000e+00 : f32
    %max3A_12 = vector.broadcast %max3A : f32 to vector<1024x64xf32>
    %max3A_13 = arith.maximumf %add3A_11, %max3A_12 : vector<1024x64xf32>
    %get3A_14 = arith.constant 0 : index
    %get3A_15 = arith.constant 0 : index
    %get3A_16 = vector.load %arg6[%get3A_14, %get3A_15] : memref<128x64xf32, #tpu.memory_space<vmem>>, vector<128x64xf32>
    %transpose3A = tpu.transpose %get3A_16, [1, 0] : vector<128x64xf32> -> vector<64x128xf32>
    %dot_general3A_17 = arith.constant dense<0.000000e+00> : vector<1024x128xf32>
    %dot_general3A_18 = tpu.matmul %max3A_13, %transpose3A, %dot_general3A_17 {dimension_numbers = #tpu.dot_dimension_numbers<[1], [0], [0], [1], [0, 0, 1, 1], [], []>, transpose_lhs_hint = false} : vector<1024x64xf32>, vector<64x128xf32>, vector<1024x128xf32> -> vector<1024x128xf32>
    %get3A_19 = arith.constant 0 : index
    %get3A_20 = vector.load %arg7[%get3A_19] : memref<128xf32, #tpu.memory_space<vmem>>, vector<128xf32>
    %broadcast_in_dim3A_21 = vector.shape_cast %get3A_20 : vector<128xf32> to vector<1x128xf32>
    %mul3A = vector.broadcast %broadcast_in_dim3A_21 : vector<1x128xf32> to vector<1024x128xf32>
    %mul3A_22 = arith.mulf %dot_general3A_18, %mul3A : vector<1024x128xf32>
    %reduce_sum3A = arith.constant dense<0.000000e+00> : vector<1024xf32>
    %reduce_sum3A_23 = vector.multi_reduction <add>, %mul3A_22, %reduce_sum3A [1] : vector<1024x128xf32> to vector<1024xf32>
    %broadcast_in_dim3A_24 = vector.shape_cast %reduce_sum3A_23 : vector<1024xf32> to vector<1024x1xf32>
    %get3A_25 = arith.constant 0 : index
    %get3A_26 = vector.load %arg8[%get3A_25] : memref<128xf32, #tpu.memory_space<vmem>>, vector<128xf32>
    %broadcast_in_dim3A_27 = vector.shape_cast %get3A_26 : vector<128xf32> to vector<1x128xf32>
    %dot_general3A_28 = arith.constant dense<0.000000e+00> : vector<1x1024xf32>
    %dot_general3A_29 = tpu.matmul %broadcast_in_dim3A_27, %dot_general3A_18, %dot_general3A_28 {dimension_numbers = #tpu.dot_dimension_numbers<[1], [1], [0], [0], [0, 0, 1, 0], [], []>, transpose_lhs_hint = false} : vector<1x128xf32>, vector<1024x128xf32>, vector<1x1024xf32> -> vector<1x1024xf32>
    %add3A_30 = vector.broadcast %broadcast_in_dim3A_24 : vector<1024x1xf32> to vector<1024x1024xf32>
    %add3A_31 = vector.broadcast %dot_general3A_29 : vector<1x1024xf32> to vector<1024x1024xf32>
    %add3A_32 = arith.addf %add3A_30, %add3A_31 : vector<1024x1024xf32>
    %ge3A = arith.constant 0.000000e+00 : f32
    %ge3A_33 = vector.broadcast %ge3A : f32 to vector<1024x1024xf32>
    %ge3A_34 = arith.cmpf oge, %add3A_32, %ge3A_33 : vector<1024x1024xf32>
    %mul3A_35 = arith.constant 2.000000e-01 : f32
    %mul3A_36 = vector.broadcast %mul3A_35 : f32 to vector<1024x1024xf32>
    %mul3A_37 = arith.mulf %mul3A_36, %add3A_32 : vector<1024x1024xf32>
    %select_n3A = arith.select %ge3A_34, %add3A_32, %mul3A_37 : vector<1024x1024xi1>, vector<1024x1024xf32>
    %iota3A = tpu.iota {dimensions = array<i32: 0>} : vector<1024x1024xi32>
    %iota3A_38 = tpu.iota {dimensions = array<i32: 1>} : vector<1024x1024xi32>
    %eq3A = arith.cmpi eq, %iota3A, %iota3A_38 : vector<1024x1024xi32>
    %jit3A = arith.constant 1.000000e+00 : f32
    %jit3A_39 = arith.constant 0.000000e+00 : f32
    %broadcast_in_dim3A_40 = vector.broadcast %jit3A : f32 to vector<1024x1024xf32>
    %broadcast_in_dim3A_41 = vector.broadcast %jit3A_39 : f32 to vector<1024x1024xf32>
    %select_n3A_42 = arith.select %eq3A, %broadcast_in_dim3A_40, %broadcast_in_dim3A_41 : vector<1024x1024xi1>, vector<1024x1024xf32>
    %add3A_43 = arith.addf %get3A_4, %select_n3A_42 : vector<1024x1024xf32>
    %sub3A = arith.constant 1.200000e+01 : f32
    %sub3A_44 = vector.broadcast %sub3A : f32 to vector<1024x1024xf32>
    %sub3A_45 = arith.subf %select_n3A, %sub3A_44 : vector<1024x1024xf32>
    %exp3A = math.exp %sub3A_45 : vector<1024x1024xf32>
    %mul3A_46 = arith.mulf %add3A_43, %exp3A : vector<1024x1024xf32>
    %dot_general3A_47 = arith.constant dense<0.000000e+00> : vector<1024x128xf32>
    %dot_general3A_48 = tpu.matmul %mul3A_46, %dot_general3A_18, %dot_general3A_47 {dimension_numbers = #tpu.dot_dimension_numbers<[0], [0], [1], [1], [0, 1, 1, 1], [], []>, transpose_lhs_hint = false} : vector<1024x1024xf32>, vector<1024x128xf32>, vector<1024x128xf32> -> vector<1024x128xf32>
    %broadcast_in_dim3A_49 = arith.constant 1.000000e+00 : f32
    %broadcast_in_dim3A_50 = vector.broadcast %broadcast_in_dim3A_49 : f32 to vector<1024x1xf32>
    %dot_general3A_51 = arith.constant dense<0.000000e+00> : vector<1024x1xf32>
    %dot_general3A_52 = tpu.matmul %mul3A_46, %broadcast_in_dim3A_50, %dot_general3A_51 {dimension_numbers = #tpu.dot_dimension_numbers<[0], [0], [1], [1], [0, 1, 1, 1], [], []>, transpose_lhs_hint = false} : vector<1024x1024xf32>, vector<1024x1xf32>, vector<1024x1xf32> -> vector<1024x1xf32>
    %div3A = vector.broadcast %dot_general3A_52 : vector<1024x1xf32> to vector<1024x128xf32>
    %div3A_53 = arith.divf %dot_general3A_48, %div3A : vector<1024x128xf32>
    %get3A_54 = arith.constant 0 : index
    %get3A_55 = vector.load %arg9[%get3A_54] : memref<128xf32, #tpu.memory_space<vmem>>, vector<128xf32>
    %broadcast_in_dim3A_56 = vector.shape_cast %get3A_55 : vector<128xf32> to vector<1x128xf32>
    %add3A_57 = vector.broadcast %broadcast_in_dim3A_56 : vector<1x128xf32> to vector<1024x128xf32>
    %add3A_58 = arith.addf %div3A_53, %add3A_57 : vector<1024x128xf32>
    %get3A_59 = arith.constant 0 : index
    %get3A_60 = arith.constant 0 : index
    %get3A_61 = vector.load %arg10[%get3A_59, %get3A_60] : memref<64x128xf32, #tpu.memory_space<vmem>>, vector<64x128xf32>
    %dot_general3A_62 = arith.constant dense<0.000000e+00> : vector<1024x64xf32>
    %dot_general3A_63 = tpu.matmul %get3A_1, %get3A_61, %dot_general3A_62 {dimension_numbers = #tpu.dot_dimension_numbers<[1], [1], [0], [0], [0, 0, 1, 0], [], []>, transpose_lhs_hint = false} : vector<1024x128xf32>, vector<64x128xf32>, vector<1024x64xf32> -> vector<1024x64xf32>
    %get3A_64 = arith.constant 0 : index
    %get3A_65 = vector.load %arg11[%get3A_64] : memref<64xf32, #tpu.memory_space<vmem>>, vector<64xf32>
    %broadcast_in_dim3A_66 = vector.shape_cast %get3A_65 : vector<64xf32> to vector<1x64xf32>
    %add3A_67 = vector.broadcast %broadcast_in_dim3A_66 : vector<1x64xf32> to vector<1024x64xf32>
    %add3A_68 = arith.addf %dot_general3A_63, %add3A_67 : vector<1024x64xf32>
    %max3A_69 = arith.constant 0.000000e+00 : f32
    %max3A_70 = vector.broadcast %max3A_69 : f32 to vector<1024x64xf32>
    %max3A_71 = arith.maximumf %add3A_68, %max3A_70 : vector<1024x64xf32>
    %get3A_72 = arith.constant 0 : index
    %get3A_73 = arith.constant 0 : index
    %get3A_74 = vector.load %arg12[%get3A_72, %get3A_73] : memref<128x64xf32, #tpu.memory_space<vmem>>, vector<128x64xf32>
    %transpose3A_75 = tpu.transpose %get3A_74, [1, 0] : vector<128x64xf32> -> vector<64x128xf32>
    %dot_general3A_76 = arith.constant dense<0.000000e+00> : vector<1024x128xf32>
    %dot_general3A_77 = tpu.matmul %max3A_71, %transpose3A_75, %dot_general3A_76 {dimension_numbers = #tpu.dot_dimension_numbers<[1], [0], [0], [1], [0, 0, 1, 1], [], []>, transpose_lhs_hint = false} : vector<1024x64xf32>, vector<64x128xf32>, vector<1024x128xf32> -> vector<1024x128xf32>
    %get3A_78 = arith.constant 0 : index
    %get3A_79 = vector.load %arg13[%get3A_78] : memref<128xf32, #tpu.memory_space<vmem>>, vector<128xf32>
    %broadcast_in_dim3A_80 = vector.shape_cast %get3A_79 : vector<128xf32> to vector<1x128xf32>
    %add3A_81 = vector.broadcast %broadcast_in_dim3A_80 : vector<1x128xf32> to vector<1024x128xf32>
    %add3A_82 = arith.addf %dot_general3A_77, %add3A_81 : vector<1024x128xf32>
    %sub3A_83 = arith.subf %get3A_1, %add3A_82 : vector<1024x128xf32>
    %mul3A_84 = arith.mulf %sub3A_83, %sub3A_83 : vector<1024x128xf32>
    %reduce_sum3A_85 = arith.constant dense<0.000000e+00> : vector<1024xf32>
    %reduce_sum3A_86 = vector.multi_reduction <add>, %mul3A_84, %reduce_sum3A_85 [1] : vector<1024x128xf32> to vector<1024xf32>
    %broadcast_in_dim3A_87 = vector.shape_cast %reduce_sum3A_86 : vector<1024xf32> to vector<1024x1xf32>
    %sqrt3A = math.sqrt %broadcast_in_dim3A_87 : vector<1024x1xf32>
    %mul3A_88 = arith.constant 5.000000e-01 : f32
    %mul3A_89 = vector.broadcast %mul3A_88 : f32 to vector<1024x1xf32>
    %mul3A_90 = arith.mulf %mul3A_89, %sqrt3A : vector<1024x1xf32>
    %dot_general3A_91 = arith.constant dense<0.000000e+00> : vector<1024x1024xf32>
    %dot_general3A_92 = tpu.matmul %add3A_58, %add3A_58, %dot_general3A_91 {dimension_numbers = #tpu.dot_dimension_numbers<[1], [1], [0], [0], [0, 0, 1, 0], [], []>, transpose_lhs_hint = false} : vector<1024x128xf32>, vector<1024x128xf32>, vector<1024x1024xf32> -> vector<1024x1024xf32>
    %logistic3A = arith.negf %dot_general3A_92 : vector<1024x1024xf32>
    %logistic3A_93 = math.exp %logistic3A : vector<1024x1024xf32>
    %logistic3A_94 = arith.constant 1.000000e+00 : f32
    %logistic3A_95 = vector.broadcast %logistic3A_94 : f32 to vector<1024x1024xf32>
    %logistic3A_96 = arith.addf %logistic3A_95, %logistic3A_93 : vector<1024x1024xf32>
    %logistic3A_97 = arith.divf %logistic3A_95, %logistic3A_96 : vector<1024x1024xf32>
    %sub3A_98 = arith.subf %get3A_4, %logistic3A_97 : vector<1024x1024xf32>
    %mul3A_99 = arith.mulf %sub3A_98, %sub3A_98 : vector<1024x1024xf32>
    %reduce_sum3A_100 = arith.constant dense<0.000000e+00> : vector<1024xf32>
    %reduce_sum3A_101 = vector.multi_reduction <add>, %mul3A_99, %reduce_sum3A_100 [1] : vector<1024x1024xf32> to vector<1024xf32>
    %broadcast_in_dim3A_102 = vector.shape_cast %reduce_sum3A_101 : vector<1024xf32> to vector<1024x1xf32>
    %sqrt3A_103 = math.sqrt %broadcast_in_dim3A_102 : vector<1024x1xf32>
    %mul3A_104 = arith.constant 5.000000e-01 : f32
    %mul3A_105 = vector.broadcast %mul3A_104 : f32 to vector<1024x1xf32>
    %mul3A_106 = arith.mulf %mul3A_105, %sqrt3A_103 : vector<1024x1xf32>
    %add3A_107 = arith.addf %mul3A_90, %mul3A_106 : vector<1024x1xf32>
    %get3A_108 = arith.constant 0 : index
    %get3A_109 = vector.load %arg3[%get3A_108] : memref<1024xf32, #tpu.memory_space<vmem>>, vector<1024xf32>
    %broadcast_in_dim3A_110 = vector.shape_cast %get3A_109 : vector<1024xf32> to vector<1x1024xf32>
    %dot_general3A_111 = arith.constant dense<0.000000e+00> : vector<1x1xf32>
    %dot_general3A_112 = tpu.matmul %broadcast_in_dim3A_110, %add3A_107, %dot_general3A_111 {dimension_numbers = #tpu.dot_dimension_numbers<[1], [0], [0], [1], [0, 0, 1, 1], [], []>, transpose_lhs_hint = false} : vector<1x1024xf32>, vector<1024x1xf32>, vector<1x1xf32> -> vector<1x1xf32>
    %div3A_113 = arith.constant 8.190000e+02 : f32
    %div3A_114 = vector.broadcast %div3A_113 : f32 to vector<1x1xf32>
    %div3A_115 = arith.divf %dot_general3A_112, %div3A_114 : vector<1x1xf32>
    %swap3A = arith.constant 0 : index
    %swap3A_116 = arith.constant 0 : index
    %swap3A_117 = vector.load %arg14[%swap3A, %swap3A_116] : memref<1x1xf32, #tpu.memory_space<vmem>>, vector<1x1xf32>
    tpu.vector_store %arg14[%swap3A, %swap3A_116], %div3A_115 {strides = array<i32>} : memref<1x1xf32, #tpu.memory_space<vmem>>, vector<1x1xf32>,
    %get3A_118 = arith.constant 0 : index
    %get3A_119 = vector.load %arg2[%get3A_118] : memref<205xi32, #tpu.memory_space<vmem>>, vector<205xi32>
    %broadcast_in_dim3A_120 = vector.shape_cast %get3A_119 : vector<205xi32> to vector<1x205xi32>
    %iota3A_121 = tpu.iota {dimensions = array<i32: 0>} : vector<1024x205xi32>
    %eq3A_122 = vector.broadcast %broadcast_in_dim3A_120 : vector<1x205xi32> to vector<1024x205xi32>
    %eq3A_123 = arith.cmpi eq, %iota3A_121, %eq3A_122 : vector<1024x205xi32>
    %convert_element_type3A = arith.extui %eq3A_123 : vector<1024x205xi1> to vector<1024x205xi32>
    %convert_element_type3A_124 = arith.sitofp %convert_element_type3A : vector<1024x205xi32> to vector<1024x205xf32>
    %dot_general3A_125 = arith.constant dense<0.000000e+00> : vector<1x205xf32>
    %dot_general3A_126 = tpu.matmul %add3A_107, %convert_element_type3A_124, %dot_general3A_125 {dimension_numbers = #tpu.dot_dimension_numbers<[0], [0], [1], [1], [0, 1, 1, 1], [], []>, transpose_lhs_hint = false} : vector<1024x1xf32>, vector<1024x205xf32>, vector<1x205xf32> -> vector<1x205xf32>
    %swap3A_127 = arith.constant 0 : index
    %swap3A_128 = arith.constant 0 : index
    %swap3A_129 = vector.load %arg15[%swap3A_127, %swap3A_128] : memref<1x205xf32, #tpu.memory_space<vmem>>, vector<1x205xf32>
    tpu.vector_store %arg15[%swap3A_127, %swap3A_128], %dot_general3A_126 {strides = array<i32>} : memref<1x205xf32, #tpu.memory_space<vmem>>, vector<1x205xf32>,
    return
  }
}

</mosaic_0001>

<sc_bundles>
// kernel: kernel.4.cloned.1.call-start
scs
__scs_entry_jumppad:
0x0: {  	(pc) =	sbr.rel $0x88, $3  }
0x1: {  	(tag) =	ssettag $0x0;
	lr =	simm.s32 $0x1  }
0x2: {  	[smem:$0x3F93] =	sst lr;
	_ =	strace $0xD0000000  }
0x3: {  	_ = 	snop  }
0x4: {  	_ = 	snop  }
0x5: {  	_ = 	snop  }
0x6: {  	_ = 	snop  }
0x7: {  	_ = 	snop  }
__scs_overlays_trampoline_lowered:
0x8: {  	[smem:$0x3FA2] =	sst s0  }
0x9: {  	[smem:$0x3FA3] =	sst s1  }
0xa: {  	[smem:$0x3FA4] =	sst s2  }
0xb: {  	[smem:$0x3FA5] =	sst s3  }
0xc: {  	[smem:$0x3FA6] =	sst s4  }
0xd: {  	[smem:$0x3FA7] =	sst s5  }
0xe: {  	[smem:$0x3FA8] =	sst s6  }
0xf: {  	[smem:$0x3FA9] =	sst s7  }
0x10: {  	[smem:$0x3FAA] =	sst s8  }
0x11: {  	[smem:$0x3FAB] =	sst s9;
	s0 =	simm.s32 @!p0 $0x0  }
0x12: {  	s1 =	sld [smem:$0x3F91];
	s0 =	simm.s32 @p0 $0x1  }
0x13: {  	[smem:$0x3FAC] =	sst s0;
	s0 =	simm.s32 @!p1 $0x0  }
0x14: {  	s2 =	sld [smem:$0x3F90];
	s0 =	simm.s32 @p1 $0x1  }
0x15: {  	[smem:$0x3FAD] =	sst s0;
	s0 =	simm.s32 @!p2 $0x0  }
0x16: {  	s3 =	sld [smem:$0x3FDB];
	s0 =	simm.s32 @p2 $0x1  }
0x17: {  	s4 =	simm.s32 $0x1BF5;
	[smem:$0x3FAF] =	sst s0  }
0x18: {  	s0 =	sld [smem:$0x3F92];
	_ =	swait.ge [sflag:s4], $0x0  }
0x19: {  	s7 =	sld [smem:$0x3F93]  }
0x1a: {  	s8 =	sadd.s32 $0xFFFFE003, lr  }
0x1b: {  	s9 =	sadd.s32 $0xFFFFFEF7, lr;
	s5 =	simm.s32 $0xFFFFFFFF;
	p2 =	slt.u32 s8, $0xFFFFF086  }
0x1c: {  	p1 =	slt.u32 s9, $0xF7A;
	s5 =	simm.s32 @!p2 $0x0  }
0x1d: {  	s5 =	simm.s32 @p1 $0x1;
	p0 =	seq.s32 s7, s2  }
0x1e: {  	s7 =	smul.u32 @!p0 $0xF7A, s2;
	p2 =	seq.s32 @!p0 s5, $0x0  }
0x1f: {  	s9 =	smul.u32 $0xF7A, s1;
	s8 =	simm.s32 @!p0 $0x1BF5;
	p2 =	por !p2, p0  }
0x20: {  	[sflag:s8] =	ssyncset.s32 @!p0 $0xFFFFF086;
	s6 =	sadd.s32 @!p0 s3, s7;
	s7 =	simm.s32 @!p0 $0x108  }
0x21: {  	s3 =	sadd.s32 s3, s9;
	s6 =	sadd.s32 @!p0 $0x88, s6;
	s7 =	simm.s32 @p2 $0x1082  }
0x22: {  	[simem:s7], [sflag:s8] =	dma.local @!p0 [hbm:s6], $0xF7A  }
0x23: {  	s9 =	sor.u32 $0xD0000000, s2;
	s6 =	simm.s32 $0x108;
	_ =	swait.ge @!p0 [sflag:s8], $0x0  }
0x24: {  	s3 =	sadd.s32 $0x88, s3;
	s6 =	simm.s32 @!p1 $0x1082;
	[sflag:s4] =	ssyncset.s32 $0xFFFFF086  }
0x25: {  	[simem:s6], [sflag:s4] =	dma.local [hbm:s3], $0xF7A  }
0x26: {  	[smem:$0x3F93] =	sst s1;
	(tag) =	ssettag s2;
	_ =	strace s9  }
0x27: {  	s1 =	sld [smem:$0x3FA3]  }
0x28: {  	s2 =	sld [smem:$0x3FA4]  }
0x29: {  	s4 =	sld [smem:$0x3FA6]  }
0x2a: {  	p0 =	seq.s32 s5, $0x0;
	s5 =	sld [smem:$0x3FA7]  }
0x2b: {  	s6 =	sld [smem:$0x3FA8]  }
0x2c: {  	s7 =	sld [smem:$0x3FA9]  }
0x2d: {  	s3 =	simm.s32 $0x108;
	s8 =	sld [smem:$0x3FAA]  }
0x2e: {  	s3 =	simm.s32 @!p0 $0x1082;
	s9 =	sld [smem:$0x3FAB]  }
0x2f: {  	lr =	sadd.s32 s0, s3;
	s0 =	sld [smem:$0x3FA2]  }
0x30: {  	s3 =	sld [smem:$0x3FA5]  }
0x31: {  	[smem:$0x3FAE] =	sst s10  }
0x32: {  	s10 =	sld [smem:$0x3FAC];
	_ =	sdelay $0x3  }
0x33: {  	p0 =	seq.s32 s10, $0x1;
	s10 =	sld [smem:$0x3FAE];
	_ =	sdelay $0x3  }
0x34: {  	[smem:$0x3FAE] =	sst s10  }
0x35: {  	s10 =	sld [smem:$0x3FAD];
	_ =	sdelay $0x3  }
0x36: {  	p1 =	seq.s32 s10, $0x1;
	s10 =	sld [smem:$0x3FAE];
	_ =	sdelay $0x3  }
0x37: {  	[smem:$0x3FAE] =	sst s10  }
0x38: {  	s10 =	sld [smem:$0x3FAF]  }
0x39: {  	_ = 	snop;
	(pc) =	sbr.ind lr, $3  }
0x3a: {  	_ = 	snop  }
0x3b: {  	_ = 	snop  }
0x3c: {  	p2 =	seq.s32 s10, $0x1;
	s10 =	sld [smem:$0x3FAE]  }
0x3d: {  	_ =	shalt  }
0x3e: {  	_ =	shalt  }
0x3f: {  	_ =	shalt  }
0x40: {  	_ =	shalt  }
0x41: {  	_ =	shalt  }
0x42: {  	_ =	shalt  }
0x43: {  	_ =	shalt  }
0x44: {  	_ =	shalt  }
0x45: {  	_ =	shalt  }
0x46: {  	_ =	shalt  }
0x47: {  	_ =	shalt  }
0x48: {  	_ =	shalt  }
0x49: {  	_ =	shalt  }
0x4a: {  	_ =	shalt  }
0x4b: {  	_ =	shalt  }
0x4c: {  	_ =	shalt  }
0x4d: {  	_ =	shalt  }
0x4e: {  	_ =	shalt  }
0x4f: {  	_ =	shalt  }
0x50: {  	_ =	shalt  }
0x51: {  	_ =	shalt  }
0x52: {  	_ =	shalt  }
0x53: {  	_ =	shalt  }
0x54: {  	_ =	shalt  }
0x55: {  	_ =	shalt  }
0x56: {  	_ =	shalt  }
0x57: {  	_ =	shalt  }
0x58: {  	_ =	shalt  }
0x59: {  	_ =	shalt  }
0x5a: {  	_ =	shalt  }
0x5b: {  	_ =	shalt  }
0x5c: {  	_ =	shalt  }
0x5d: {  	_ =	shalt  }
0x5e: {  	_ =	shalt  }
0x5f: {  	_ =	shalt  }
0x60: {  	_ =	shalt  }
0x61: {  	_ =	shalt  }
0x62: {  	_ =	shalt  }
0x63: {  	_ =	shalt  }
0x64: {  	_ =	shalt  }
0x65: {  	_ =	shalt  }
0x66: {  	_ =	shalt  }
0x67: {  	_ =	shalt  }
0x68: {  	_ =	shalt  }
0x69: {  	_ =	shalt  }
0x6a: {  	_ =	shalt  }
0x6b: {  	_ =	shalt  }
0x6c: {  	_ =	shalt  }
0x6d: {  	_ =	shalt  }
0x6e: {  	_ =	shalt  }
0x6f: {  	_ =	shalt  }
0x70: {  	_ =	shalt  }
0x71: {  	_ =	shalt  }
0x72: {  	_ =	shalt  }
0x73: {  	_ =	shalt  }
0x74: {  	_ =	shalt  }
0x75: {  	_ =	shalt  }
0x76: {  	_ =	shalt  }
0x77: {  	_ =	shalt  }
0x78: {  	_ =	shalt  }
0x79: {  	_ =	shalt  }
0x7a: {  	_ =	shalt  }
0x7b: {  	_ =	shalt  }
0x7c: {  	_ =	shalt  }
0x7d: {  	_ =	shalt  }
0x7e: {  	_ =	shalt  }
0x7f: {  	_ =	shalt  }
0x80: {  	_ =	shalt  }
0x81: {  	_ =	shalt  }
0x82: {  	_ =	shalt  }
0x83: {  	_ =	shalt  }
0x84: {  	_ =	shalt  }
0x85: {  	_ =	shalt  }
0x86: {  	_ =	shalt  }
0x87: {  	_ =	shalt  }
.Lfunc_end0:
.L_simem_size_0:
called_computation_lowered:
.L_overlay_start_0:
0x88: {  	s2 =	sld [smem:$0x3FD9]  }
0x89: {  	s3 =	sld [smem:$0x3FFE];
	_ =	sdelay $0x1  }
0x8a: {  	s1 =	srdreg.scid  }
0x8b: {  	s0 =	sand.u32 $0x1, s1  }
0x8c: {  	s17 =	sshll.u32 s0, $0xA;
	s2 =	sadd.s32 s3, s2  }
0x8d: {  	s2 =	sadd.s32 s2, s17  }
0x8e: {  	[smem:$0x3FBA] =	sst s2  }
0x8f: {  	_ = 	snop  }
0x90: {  	s2 =	sld [smem:$0x3FC7];
	(tm) =	ssettm $0x1  }
0x91: {  	s18 =	sld [smem:$0x3FFB];
	_ =	sdelay $0x3  }
0x92: {  	_ =	strace s18  }
0x93: {  	s3 =	sld [smem:$0x3FFC];
	_ =	sdelay $0x3  }
0x94: {  	_ =	strace s3  }
0x95: {  	s3 =	sld [smem:$0x3FFD];
	_ =	sdelay $0x3  }
0x96: {  	_ =	strace s3  }
0x97: {  	_ =	strace $0x8FFFFFFF  }
0x98: {  	s19 =	sld [smem:$0x3FDB];
	_ =	sdelay $0x1  }
0x99: {  	s4 =	simm.s32 $_scs_section_size  }
0x9a: {  	s5 =	simm.s32 $_size__tile_overlayer_lowered;
	s6 =	simm.s32 $_tile_overlayer_lowered  }
0x9b: {  	s22 =	simm.s32 $0x1BFF;
	s21 =	sshll.u32 s6, $0x1;
	s3 =	sadd.s32 s4, s19  }
0x9c: {  	s7 =	simm.s32 $0x0;
	s20 =	sshll.u32 s5, $0x1;
	s5 =	sadd.s32 s21, s3  }
0x9d: {  	[timem:s7], [sflag:s22] =	dma.local [hbm:s5], s20  }
0x9e: {  	_ =	swait.ge [sflag:s22], s20  }
0x9f: {  	s4 =	ssub.s32 $0x0, s20;
	[sflag:s22] =	ssyncset.done $0x0  }
0xa0: {  	[sflag:s22] =	ssyncadd.s32 s4;
	_ =	sdelay $0x1  }
0xa1: {  	s23 =	simm.s32 $0x1B8B  }
0xa2: {  	_ =	swait.ge [sflag:s23], $0x1  }
0xa3: {  	[sflag:s23] =	ssyncset.done $0x0  }
0xa4: {  	s25 =	simm.s32 $0x1B8E;
	s24 =	sld [smem:$0x3FFE];
	[sflag:s23] =	ssyncadd.s32 $0xFFFFFFFF  }
0xa5: {  	s26 =	simm.s32 $execute0_lowered;
	[smem:$0x3FD2] =	sst s25  }
0xa6: {  	s5 =	sshll.u32 s26, $0x1;
	_ =	strace $0x80000046;
	[dreg:$0x1] =	wrdreg $0xFFFFFFFF  }
0xa7: {  	s28 =	simm.s32 $_size_execute0_lowered;
	s3 =	sadd.s32 s3, s5;
	[dreg:$0x0] =	wrdreg $0x0  }
0xa8: {  	s5 =	sshll.u32 s28, $0x1;
	[dreg:$0x2] =	wrdreg s3  }
0xa9: {  	[dreg:$0x3] =	wrdreg s5  }
0xaa: {  	[dreg:$0x4] =	wrdreg $0xC0  }
0xab: {  	_ =	task [dreg:s7], $0x5FFFF  }
0xac: {  	[dreg:$0x1] =	wrdreg $0xFFFFFFFF  }
0xad: {  	[dreg:$0x0] =	wrdreg $0x60  }
0xae: {  	[dreg:$0x2] =	wrdreg s2  }
0xaf: {  	[dreg:$0x3] =	wrdreg s24  }
0xb0: {  	[dreg:$0x4] =	wrdreg $0x9  }
0xb1: {  	_ =	task.clear_ibuf [dreg:s7], $0x5FFFF;
	_ =	strace $0x90000046  }
0xb2: {  	s29 =	simm.s32 $0x9;
	_ =	strace $0x80000048  }
0xb3: {  	_ =	swait.ge [sflag:s29], $0x1  }
0xb4: {  	[sflag:s29] =	ssyncadd.s32 $0xFFFFFFFF  }
0xb5: {  	_ =	strace $0x90000048  }
0xb6: {  	_ =	sfence  }
0xb7: {  	s30 =	sld [smem:$0x0];
	_ =	sdelay $0x2  }
0xb8: {  	s31 =	sshll.u32 s1, $0xD;
	s1 =	sshrl.u32 s1, $0x2  }
0xb9: {  	s3 =	sand.u32 $0x4000, s31;
	s1 =	sadd.s32 s1, s30  }
0xba: {  	s0 =	sor.u32 s3, s0;
	s1 =	sshll.u32 s1, $0x11  }
0xbb: {  	s0 =	sor.u32 s1, s0  }
0xbc: {  	s0 =	sadd.s32 $0x8F2B, s0  }
0xbd: {  	[sflag:s0] =	ssyncadd.remote.s32 $0x1  }
0xbe: {  	_ =	sfence.sel $0xFFFF  }
0xbf: {  	[dreg:$0x0] =	wrdreg $0xFFFFFFFF;
	(pc) =	sbr.abs _section_cstart, $3  }
0xc0: {  	[dreg:$0x1] =	wrdreg $0xFFFFFFFF  }
0xc1: {  	_ =	task.clear_ibuf [dreg:s7], $0x2FFFF;
	_ =	strace $0x9FFFFFFF  }
0xc2: {  	(tm) =	ssettm $0x7FFFFFFF  }
0xc3: {  	_ =	shalt  }
tec
execute0_lowered:
.L_overlay_start_1:
0x0: {  	(tag) =	ssettag $0x1  }
0x1: {  	s1 =	srdreg.scid  }
0x2: {  	s31 =	stileid.u32;
	s3 =	sand.u32 $0x1, s1  }
0x3: {  	p0 =	sne.s32 s31, $0x0;
	p1 =	seq.s32 s3, $0x1  }
0x4: {  	p1 =	por p0, !p1  }
.Ltmp0:
0x5: {  	_ = 	snop;
	(pc) =	sbr.rel @p1 .LBB2_7-.Ltmp0, $4  }
0x6: {  	_ = 	snop  }
0x7: {  	s0 =	rddreg [dreg:$0x0]  }
0x8: {  	s2 =	rddreg [dreg:$0x1]  }
0x9: {  	s1 =	rddreg [dreg:$0x2];
	_ =	strace $0x80000047  }
0xa: {  	v0 =	vlaneseq.u32  }
0xb: {  	s3 =	ssub.s32 $0x2, s3;
	s2 =	sadd.s32 $0x1E00, s2;
	s5 =	simm.s32 $0x1;
	v1 =	vmul.u32 $0xFFFFFFFF, v0  }
0xc: {  	s6 =	simm.s32 $0x380;
	s7 =	simm.s32 $0x0;
	s4 =	sshrl.u32 s3, $0x1  }
0xd: {  	s8 =	simm.s32 $0x2;
	v0 =	vimm.f32 $0.0e+00;
	s3 =	ssub.s32 s3, s4;
	s4 =	simm.s32 $0x0;
	v1 =	vadd.s32 $0x333, v1  }
.LBB2_2:
0xe: {  	[tilespmem:s7], [sflag:$0x1] =	stream.linear.gather [hbm4b:s0+s7], $0x333, $0x38;
	[tilespmem:$0x780] =	vst v63  }
0xf: {  	s9 =	simm.s32 $0x40;
	s10 =	simm.s32 $0x0  }
.LBB2_3:
0x10: {  	p1 =	sne.s32 s9, $0xFC0;
	[tilespmem:s10+$0x380] =	vst v0;
	s10 =	smov.u32 s9;
	s9 =	sadd.s32 $0x40, s9  }
.Ltmp1:
0x11: {  	(pc) =	sbr.rel @p1 .LBB2_3-.Ltmp1, $2  }
0x12: {  	_ =	sdelay $0x2  }
0x13: {  	s10 =	sshra.s32 s10, $0x2  }
0x14: {  	[tilespmem:s10+$0x380] =	vst v0  }
0x15: {  	_ =	swait.ge [sflag:s5], $0x333  }
0x16: {  	[sflag:s5] =	ssyncset.done $0x0  }
0x17: {  	s9 =	simm.s32 $0x0;
	[sflag:s5] =	ssyncadd.s32 $0xFFFFFCCD  }
0x18: {  	s10 =	simm.s32 $0x10;
	s11 =	simm.s32 $0x0;
	v2 =	vld [tilespmem:s9+$0x0]  }
.LBB2_5:
0x19: {  	p1 =	sne.s32 s10, $0x330;
	_ =	sdelay $0x1  }
0x1a: {  	v3 =	vmov s9;
	s9 =	smov.u32 s10  }
0x1b: {  	vm0 =	vlt.u32 v3, v1  }
0x1c: {  	v2 =	vnsel vm0, $0x0, v2;
	_ =	sdelay $0x1  }
.Ltmp2:
0x1d: {  	(pc) =	sbr.rel @p1 .LBB2_5-.Ltmp2, $4  }
0x1e: {  	_ = 	snop  }
0x1f: {  	v3 =	vsel vm0, $0x3F800000, v0  }
0x20: {  	s11 =	sadd.s32 $0x10, s11;
	[tilespmem:v2+s6+$0x0] =	vst.idx.add.f32.msk $0xffff, v3  }
0x21: {  	s10 =	sadd.s32 $0x10, s10;
	v2 =	vld [tilespmem:s11+$0x0]  }
0x22: {  	_ =	sdelay $0x1  }
0x23: {  	v3 =	vmov s9  }
0x24: {  	vm0 =	vlt.u32 v3, v1  }
0x25: {  	v2 =	vnsel vm0, $0x0, v2;
	_ =	sdelay $0x2  }
0x26: {  	s4 =	sadd.s32 $0x1, s4  }
0x27: {  	p1 =	sne.s32 s4, s3;
	v3 =	vsel vm0, $0x3F800000, v0  }
.Ltmp3:
0x28: {  	[tilespmem:v2+s6+$0x0] =	vst.idx.add.f32.msk $0xffff, v3;
	(pc) =	sbr.rel @p1 .LBB2_2-.Ltmp3, $4  }
0x29: {  	[hbm4b:s2+s7] =	stream.linear.scatter [tilespmem:s6], [sflag:$0x2], $0x400, $0x38;
	[tilespmem:$0x780] =	vst v63  }
0x2a: {  	_ =	swait.ge [sflag:s8], $0x400  }
0x2b: {  	[sflag:s8] =	ssyncset.done $0x0  }
0x2c: {  	[sflag:s8] =	ssyncadd.s32 $0xFFFFFC00  }
.LBB2_7:
0x2d: {  	_ =	sfence.sel $0x180000  }
0x2e: {  	[bflag:$0x0] =	sbarrier.arrive $0xFFFF  }
0x2f: {  	_ =	strace $0x90000047  }
0x30: {  	s0 =	sadd.s32 @!p0 $0x100000, s1;
	[bflag:$0x2] =	sbarrier.arrive $0xFFFF  }
0x31: {  	[sflag:s0] =	ssyncadd.tile.s32 @!p0 $0x1;
	_ =	shalt  }
.Lfunc_end2:
_tile_overlayer_lowered:
.L_overlay_start_2:
0x32: {  	(tag) =	ssettag $0x2  }
0x33: {  	s0 =	rddreg [dreg:$0x0];
	s2 =	stileid.u32  }
0x34: {  	s1 =	rddreg [dreg:$0x1];
	p0 =	sne.s32 s2, $0x0  }
0x35: {  	s3 =	rddreg [dreg:$0x2];
	[bflag:$0x3] =	sbarrier.arrive $0xFFFF;
	s2 =	simm.s32 @!p0 $0x1C02  }
0x36: {  	[timem:s3], [sflag:s2] =	dma.local @!p0 [hbm:s0], s1  }
0x37: {  	s0 =	simm.s32 @!p0 $0x2  }
0x38: {  	_ =	swait.ge @!p0 [sflag:s0], s1  }
0x39: {  	s1 =	ssub.s32 @!p0 $0x0, s1;
	[sflag:s0] =	ssyncset.done @!p0 $0x0  }
0x3a: {  	[sflag:s0] =	ssyncadd.s32 @!p0 s1  }
0x3b: {  	[bflag:$0x3] =	sbarrier.arrive $0xFFFF  }
0x3c: {  	_ =	shalt  }

</sc_bundles>
